<compile_context>
chip_gen: v7x
topology: tpu7x:2x2x1
jax: 0.10.2.dev20260603
libtpu: 0.0.44.dev20260713+nightly
codegen_flags: <defaults>
</compile_context>

<pallas_src>
import functools

import jax
import jax.numpy as jnp
from jax import lax
from jax.experimental import pallas as pl
from jax.experimental.pallas import tpu as pltpu
from jax.experimental.pallas import tpu_sc as plsc

BATCH, HIST, DIM = 4096, 200, 128
TOTAL = BATCH * HIST


@functools.partial(jax.jit, static_argnames=())
def _embed(indices_flat, weight):
    info = plsc.get_sparse_core_info()
    nc, ns = info.num_cores, info.num_subcores
    nw = nc * ns
    per_w = TOTAL // nw
    chunk = 200
    n_chunks = per_w // chunk
    n_groups = n_chunks // 2

    mesh = plsc.VectorSubcoreMesh(core_axis_name="c", subcore_axis_name="s")

    @functools.partial(
        pl.kernel,
        mesh=mesh,
        out_type=jax.ShapeDtypeStruct((TOTAL, DIM), jnp.float32),
        scratch_types=(
            [pltpu.VMEM((per_w,), jnp.int32)]
            + [pltpu.VMEM((chunk, DIM), jnp.float32)] * 2
            + [pltpu.VMEM_SHARED((ns, 2, chunk, DIM), jnp.float32)]
            + [pltpu.SemaphoreType.DMA] * 6
        ),
    )
    def k(idx_hbm, table_hbm, out_hbm, idx_v, r0, r1, sp, g0, g1, c0, c1, w0, w1):
        rows, gsem, csem, wsem = (r0, r1), (g0, g1), (c0, c1), (w0, w1)
        sid = lax.axis_index("s")
        wid = sid * nc + lax.axis_index("c")
        base = wid * per_w
        pltpu.sync_copy(idx_hbm.at[pl.ds(base, per_w)], idx_v)

        def idx_slice(i):
            return idx_v.at[pl.ds(pl.multiple_of(i * chunk, 8), chunk)]

        def gather_start(b, i):
            pltpu.async_copy(table_hbm.at[idx_slice(i)], rows[b], gsem[b])

        def gather_wait(b, i):
            pltpu.make_async_copy(table_hbm.at[idx_slice(i)], rows[b], gsem[b]).wait()

        def copy_start(b):
            pltpu.async_copy(rows[b], sp.at[sid, b], csem[b])

        def copy_wait(b):
            pltpu.make_async_copy(rows[b], sp.at[sid, b], csem[b]).wait()

        def wb_start(b, i):
            pltpu.async_copy(sp.at[sid, b], out_hbm.at[pl.ds(base + i * chunk, chunk)], wsem[b])

        def wb_wait(b):
            pltpu.make_async_copy(sp.at[sid, b], out_hbm.at[pl.ds(0, chunk)], wsem[b]).wait()

        for b in (0, 1):
            gather_start(b, b)

        for b in (0, 1):
            gather_wait(b, b)
            copy_start(b)
            copy_wait(b)
            wb_start(b, b)
            gather_start(b, b + 2)

        def group(g, carry):
            for b in (0, 1):
                i = 2 * g + b
                gather_wait(b, i)
                wb_wait(b)
                copy_start(b)
                copy_wait(b)
                wb_start(b, i)
                nxt = jnp.minimum(i + 2, n_chunks - 1)
                gather_start(b, nxt)
            return carry

        lax.fori_loop(1, n_groups, group, 0)

        for b in (0, 1):
            gather_wait(b, n_chunks - 1)
            wb_wait(b)

    return k(indices_flat, weight)


def kernel(indices, weight):
    flat = indices.reshape(-1).astype(jnp.int32)
    out = _embed(flat, weight)
    return out.reshape(BATCH, HIST, DIM)

# --- scband reference (transcript-rebuilt; emitter-appended) ---
"""Pipeline reference for scband-token-embedding-66108136620232 (READ-ONLY COPY).

The authoritative reference and input builder live on the scoring server;
editing this copy changes nothing except your own understanding.
"""

import jax, jax.numpy as jnp
import numpy as np

VOCAB = 1000000
DIM = 128
PAD_IDX = 0
BATCH = 4096
HIST = 200


def setup_inputs(seed: int = 0) -> dict:
    key = jax.random.key(seed)
    k_idx, k_w = jax.random.split(key)
    indices = jax.random.randint(k_idx, (BATCH, HIST), 0, VOCAB, dtype=jnp.int64 if jax.config.jax_enable_x64 else jnp.int32)
    # nn.Embedding default init: N(0, 1); padding_idx row zeroed at init
    weight = jax.random.normal(k_w, (VOCAB, DIM), dtype=jnp.float32)
    weight = weight.at[PAD_IDX].set(0.0)
    return {"indices": indices, "weight": weight}


def reference(indices, weight):
    # TokenEmbedding.forward == nn.Embedding.forward: gather rows of the table
    return jnp.take(weight, indices, axis=0)

if __name__ == "__main__":
    import jax
    _d = setup_inputs()
    print(jax.jit(kernel)(*tuple(_d.values())))

</pallas_src>

<mosaic_0001>
#map = affine_map<(d0, d1) -> (0)>
#map1 = affine_map<(d0, d1) -> (0, 0)>
module attributes {stable_mosaic.version = 14 : i64} {
  func.func @k(%arg0: i32, %arg1: i32, %arg2: memref<819200xi32, #tpu.memory_space<hbm>>, %arg3: memref<1000000x128xf32, #tpu.memory_space<hbm>>, %arg4: memref<819200x128xf32, #tpu.memory_space<hbm>>, %arg5: memref<25600xi32, #tpu.memory_space<vmem>>, %arg6: memref<200x128xf32, #tpu.memory_space<vmem>>, %arg7: memref<200x128xf32, #tpu.memory_space<vmem>>, %arg8: memref<16x2x200x128xf32, #tpu.memory_space<vmem_shared>>, %arg9: memref<!tpu.dma_semaphore, #tpu.memory_space<semaphore_mem>>, %arg10: memref<!tpu.dma_semaphore, #tpu.memory_space<semaphore_mem>>, %arg11: memref<!tpu.dma_semaphore, #tpu.memory_space<semaphore_mem>>, %arg12: memref<!tpu.dma_semaphore, #tpu.memory_space<semaphore_mem>>, %arg13: memref<!tpu.dma_semaphore, #tpu.memory_space<semaphore_mem>>, %arg14: memref<!tpu.dma_semaphore, #tpu.memory_space<semaphore_mem>>) attributes {dimension_semantics = [#tpu.dimension_semantics<core_parallel>, #tpu.dimension_semantics<subcore_parallel>], iteration_bounds = array<i64: 2, 16>, scalar_prefetch = 0 : i64, scratch_operands = 10 : i64, tpu.core_type = #tpu.core_type<sc_vector_subcore>, window_params = [{transform_indices = #map}, {transform_indices = #map1}, {transform_indices = #map1}]} {
    %mul3A = arith.constant 2 : i32
    %mul3A_0 = arith.muli %arg1, %mul3A : i32
    %add3A = arith.addi %mul3A_0, %arg0 : i32
    %mul3A_1 = arith.constant 25600 : i32
    %mul3A_2 = arith.muli %add3A, %mul3A_1 : i32
    "tpu.region"() ({
      %run_scoped3A = tpu.sem_alloc : memref<!tpu.dma_semaphore, #tpu.memory_space<semaphore_mem>>
      %dma_start3A_123 = tpu.memref_slice %arg2[%mul3A_2] : memref<819200xi32, #tpu.memory_space<hbm>> -> memref<25600xi32, #tpu.memory_space<hbm>>
      %dma_start3A_124 = tpu.memref_slice %arg2[%mul3A_2] : memref<819200xi32, #tpu.memory_space<hbm>> -> memref<25600xi32, #tpu.memory_space<hbm>>
      tpu.enqueue_dma source(%dma_start3A_124 : memref<25600xi32, #tpu.memory_space<hbm>>) target(%arg5 : memref<25600xi32, #tpu.memory_space<vmem>>) target_semaphore(%run_scoped3A : memref<!tpu.dma_semaphore, #tpu.memory_space<semaphore_mem>>)
      %dma_wait3A_125 = tpu.memref_slice %arg2[%mul3A_2] : memref<819200xi32, #tpu.memory_space<hbm>> -> memref<25600xi32, #tpu.memory_space<hbm>>
      %dma_wait3A_126 = tpu.memref_slice %arg2[%mul3A_2] : memref<819200xi32, #tpu.memory_space<hbm>> -> memref<25600xi32, #tpu.memory_space<hbm>>
      tpu.wait_dma2 semaphore(%run_scoped3A : memref<!tpu.dma_semaphore, #tpu.memory_space<semaphore_mem>>) src(%dma_wait3A_126 : memref<25600xi32, #tpu.memory_space<hbm>>) dst(%arg5 : memref<25600xi32, #tpu.memory_space<vmem>>)
      tpu.yield
    }) : () -> ()
    %multiple_of3A = arith.constant 0 : i32
    %multiple_of3A_3 = tpu.assume_multiple %multiple_of3A, 8 : i32
    %dma_start3A = tpu.memref_slice %arg5[%multiple_of3A_3] : memref<25600xi32, #tpu.memory_space<vmem>> -> memref<200xi32, #tpu.memory_space<vmem>>
    %dma_start3A_4 = arith.constant 0 : i32
    %dma_start3A_5 = arith.constant 0 : i32
    %dma_start3A_6 = tpu.memref_slice %arg3[%dma_start3A_4, %dma_start3A_5] : memref<1000000x128xf32, #tpu.memory_space<hbm>> -> memref<1000000x128xf32, #tpu.memory_space<hbm>>
    tpu.enqueue_indirect_dma source(%dma_start3A_6 : memref<1000000x128xf32, #tpu.memory_space<hbm>>) target(%arg6 : memref<200x128xf32, #tpu.memory_space<vmem>>) offsets(%dma_start3A : memref<200xi32, #tpu.memory_space<vmem>>) semaphore(%arg9 : memref<!tpu.dma_semaphore, #tpu.memory_space<semaphore_mem>>)
    %multiple_of3A_7 = arith.constant 200 : i32
    %multiple_of3A_8 = tpu.assume_multiple %multiple_of3A_7, 8 : i32
    %dma_start3A_9 = tpu.memref_slice %arg5[%multiple_of3A_8] : memref<25600xi32, #tpu.memory_space<vmem>> -> memref<200xi32, #tpu.memory_space<vmem>>
    %dma_start3A_10 = arith.constant 0 : i32
    %dma_start3A_11 = arith.constant 0 : i32
    %dma_start3A_12 = tpu.memref_slice %arg3[%dma_start3A_10, %dma_start3A_11] : memref<1000000x128xf32, #tpu.memory_space<hbm>> -> memref<1000000x128xf32, #tpu.memory_space<hbm>>
    tpu.enqueue_indirect_dma source(%dma_start3A_12 : memref<1000000x128xf32, #tpu.memory_space<hbm>>) target(%arg7 : memref<200x128xf32, #tpu.memory_space<vmem>>) offsets(%dma_start3A_9 : memref<200xi32, #tpu.memory_space<vmem>>) semaphore(%arg10 : memref<!tpu.dma_semaphore, #tpu.memory_space<semaphore_mem>>)
    %multiple_of3A_13 = arith.constant 0 : i32
    %multiple_of3A_14 = tpu.assume_multiple %multiple_of3A_13, 8 : i32
    %dma_wait3A = tpu.memref_slice %arg5[%multiple_of3A_14] : memref<25600xi32, #tpu.memory_space<vmem>> -> memref<200xi32, #tpu.memory_space<vmem>>
    %dma_wait3A_15 = arith.constant 0 : i32
    %dma_wait3A_16 = arith.constant 0 : i32
    %dma_wait3A_17 = tpu.memref_slice %arg3[%dma_wait3A_15, %dma_wait3A_16] : memref<1000000x128xf32, #tpu.memory_space<hbm>> -> memref<1000000x128xf32, #tpu.memory_space<hbm>>
    tpu.wait_indirect_dma semaphore(%arg9 : memref<!tpu.dma_semaphore, #tpu.memory_space<semaphore_mem>>) src(%dma_wait3A_17 : memref<1000000x128xf32, #tpu.memory_space<hbm>>) dst(%arg6 : memref<200x128xf32, #tpu.memory_space<vmem>>)
    %dma_start3A_18 = arith.constant 0 : i32
    %dma_start3A_19 = arith.constant 0 : i32
    %dma_start3A_20 = arith.constant 0 : i32
    %dma_start3A_21 = tpu.memref_slice %arg8[%arg1, %dma_start3A_18, %dma_start3A_19, %dma_start3A_20] : memref<16x2x200x128xf32, #tpu.memory_space<vmem_shared>> -> memref<1x1x200x128xf32, #tpu.memory_space<vmem_shared>>
    %dma_start3A_22 = tpu.memref_squeeze %dma_start3A_21 : memref<1x1x200x128xf32, #tpu.memory_space<vmem_shared>> -> memref<200x128xf32, #tpu.memory_space<vmem_shared>>
    %dma_start3A_23 = arith.constant 0 : i32
    %dma_start3A_24 = arith.constant 0 : i32
    %dma_start3A_25 = tpu.memref_slice %arg8[%arg1, %dma_start3A_18, %dma_start3A_23, %dma_start3A_24] : memref<16x2x200x128xf32, #tpu.memory_space<vmem_shared>> -> memref<1x1x200x128xf32, #tpu.memory_space<vmem_shared>>
    %dma_start3A_26 = tpu.memref_squeeze %dma_start3A_25 : memref<1x1x200x128xf32, #tpu.memory_space<vmem_shared>> -> memref<200x128xf32, #tpu.memory_space<vmem_shared>>
    tpu.enqueue_dma source(%arg6 : memref<200x128xf32, #tpu.memory_space<vmem>>) target(%dma_start3A_26 : memref<200x128xf32, #tpu.memory_space<vmem_shared>>) target_semaphore(%arg11 : memref<!tpu.dma_semaphore, #tpu.memory_space<semaphore_mem>>)
    %dma_wait3A_27 = arith.constant 0 : i32
    %dma_wait3A_28 = arith.constant 0 : i32
    %dma_wait3A_29 = arith.constant 0 : i32
    %dma_wait3A_30 = tpu.memref_slice %arg8[%arg1, %dma_wait3A_27, %dma_wait3A_28, %dma_wait3A_29] : memref<16x2x200x128xf32, #tpu.memory_space<vmem_shared>> -> memref<1x1x200x128xf32, #tpu.memory_space<vmem_shared>>
    %dma_wait3A_31 = tpu.memref_squeeze %dma_wait3A_30 : memref<1x1x200x128xf32, #tpu.memory_space<vmem_shared>> -> memref<200x128xf32, #tpu.memory_space<vmem_shared>>
    %dma_wait3A_32 = arith.constant 0 : i32
    %dma_wait3A_33 = arith.constant 0 : i32
    %dma_wait3A_34 = tpu.memref_slice %arg8[%arg1, %dma_wait3A_27, %dma_wait3A_32, %dma_wait3A_33] : memref<16x2x200x128xf32, #tpu.memory_space<vmem_shared>> -> memref<1x1x200x128xf32, #tpu.memory_space<vmem_shared>>
    %dma_wait3A_35 = tpu.memref_squeeze %dma_wait3A_34 : memref<1x1x200x128xf32, #tpu.memory_space<vmem_shared>> -> memref<200x128xf32, #tpu.memory_space<vmem_shared>>
    tpu.wait_dma2 semaphore(%arg11 : memref<!tpu.dma_semaphore, #tpu.memory_space<semaphore_mem>>) src(%arg6 : memref<200x128xf32, #tpu.memory_space<vmem>>) dst(%dma_wait3A_35 : memref<200x128xf32, #tpu.memory_space<vmem_shared>>)
    %add3A_36 = arith.constant 0 : i32
    %add3A_37 = arith.addi %mul3A_2, %add3A_36 : i32
    %dma_start3A_38 = arith.constant 0 : i32
    %dma_start3A_39 = arith.constant 0 : i32
    %dma_start3A_40 = tpu.memref_slice %arg4[%add3A_37, %dma_start3A_39] : memref<819200x128xf32, #tpu.memory_space<hbm>> -> memref<200x128xf32, #tpu.memory_space<hbm>>
    %dma_start3A_41 = arith.constant 0 : i32
    %dma_start3A_42 = arith.constant 0 : i32
    %dma_start3A_43 = tpu.memref_slice %arg8[%arg1, %dma_start3A_38, %dma_start3A_41, %dma_start3A_42] : memref<16x2x200x128xf32, #tpu.memory_space<vmem_shared>> -> memref<1x1x200x128xf32, #tpu.memory_space<vmem_shared>>
    %dma_start3A_44 = tpu.memref_squeeze %dma_start3A_43 : memref<1x1x200x128xf32, #tpu.memory_space<vmem_shared>> -> memref<200x128xf32, #tpu.memory_space<vmem_shared>>
    tpu.enqueue_dma source(%dma_start3A_44 : memref<200x128xf32, #tpu.memory_space<vmem_shared>>) target(%dma_start3A_40 : memref<200x128xf32, #tpu.memory_space<hbm>>) target_semaphore(%arg13 : memref<!tpu.dma_semaphore, #tpu.memory_space<semaphore_mem>>)
    %multiple_of3A_45 = arith.constant 400 : i32
    %multiple_of3A_46 = tpu.assume_multiple %multiple_of3A_45, 8 : i32
    %dma_start3A_47 = tpu.memref_slice %arg5[%multiple_of3A_46] : memref<25600xi32, #tpu.memory_space<vmem>> -> memref<200xi32, #tpu.memory_space<vmem>>
    %dma_start3A_48 = arith.constant 0 : i32
    %dma_start3A_49 = arith.constant 0 : i32
    %dma_start3A_50 = tpu.memref_slice %arg3[%dma_start3A_48, %dma_start3A_49] : memref<1000000x128xf32, #tpu.memory_space<hbm>> -> memref<1000000x128xf32, #tpu.memory_space<hbm>>
    tpu.enqueue_indirect_dma source(%dma_start3A_50 : memref<1000000x128xf32, #tpu.memory_space<hbm>>) target(%arg6 : memref<200x128xf32, #tpu.memory_space<vmem>>) offsets(%dma_start3A_47 : memref<200xi32, #tpu.memory_space<vmem>>) semaphore(%arg9 : memref<!tpu.dma_semaphore, #tpu.memory_space<semaphore_mem>>)
    %multiple_of3A_51 = arith.constant 200 : i32
    %multiple_of3A_52 = tpu.assume_multiple %multiple_of3A_51, 8 : i32
    %dma_wait3A_53 = tpu.memref_slice %arg5[%multiple_of3A_52] : memref<25600xi32, #tpu.memory_space<vmem>> -> memref<200xi32, #tpu.memory_space<vmem>>
    %dma_wait3A_54 = arith.constant 0 : i32
    %dma_wait3A_55 = arith.constant 0 : i32
    %dma_wait3A_56 = tpu.memref_slice %arg3[%dma_wait3A_54, %dma_wait3A_55] : memref<1000000x128xf32, #tpu.memory_space<hbm>> -> memref<1000000x128xf32, #tpu.memory_space<hbm>>
    tpu.wait_indirect_dma semaphore(%arg10 : memref<!tpu.dma_semaphore, #tpu.memory_space<semaphore_mem>>) src(%dma_wait3A_56 : memref<1000000x128xf32, #tpu.memory_space<hbm>>) dst(%arg7 : memref<200x128xf32, #tpu.memory_space<vmem>>)
    %dma_start3A_57 = arith.constant 1 : i32
    %dma_start3A_58 = arith.constant 0 : i32
    %dma_start3A_59 = arith.constant 0 : i32
    %dma_start3A_60 = tpu.memref_slice %arg8[%arg1, %dma_start3A_57, %dma_start3A_58, %dma_start3A_59] : memref<16x2x200x128xf32, #tpu.memory_space<vmem_shared>> -> memref<1x1x200x128xf32, #tpu.memory_space<vmem_shared>>
    %dma_start3A_61 = tpu.memref_squeeze %dma_start3A_60 : memref<1x1x200x128xf32, #tpu.memory_space<vmem_shared>> -> memref<200x128xf32, #tpu.memory_space<vmem_shared>>
    %dma_start3A_62 = arith.constant 0 : i32
    %dma_start3A_63 = arith.constant 0 : i32
    %dma_start3A_64 = tpu.memref_slice %arg8[%arg1, %dma_start3A_57, %dma_start3A_62, %dma_start3A_63] : memref<16x2x200x128xf32, #tpu.memory_space<vmem_shared>> -> memref<1x1x200x128xf32, #tpu.memory_space<vmem_shared>>
    %dma_start3A_65 = tpu.memref_squeeze %dma_start3A_64 : memref<1x1x200x128xf32, #tpu.memory_space<vmem_shared>> -> memref<200x128xf32, #tpu.memory_space<vmem_shared>>
    tpu.enqueue_dma source(%arg7 : memref<200x128xf32, #tpu.memory_space<vmem>>) target(%dma_start3A_65 : memref<200x128xf32, #tpu.memory_space<vmem_shared>>) target_semaphore(%arg12 : memref<!tpu.dma_semaphore, #tpu.memory_space<semaphore_mem>>)
    %dma_wait3A_66 = arith.constant 1 : i32
    %dma_wait3A_67 = arith.constant 0 : i32
    %dma_wait3A_68 = arith.constant 0 : i32
    %dma_wait3A_69 = tpu.memref_slice %arg8[%arg1, %dma_wait3A_66, %dma_wait3A_67, %dma_wait3A_68] : memref<16x2x200x128xf32, #tpu.memory_space<vmem_shared>> -> memref<1x1x200x128xf32, #tpu.memory_space<vmem_shared>>
    %dma_wait3A_70 = tpu.memref_squeeze %dma_wait3A_69 : memref<1x1x200x128xf32, #tpu.memory_space<vmem_shared>> -> memref<200x128xf32, #tpu.memory_space<vmem_shared>>
    %dma_wait3A_71 = arith.constant 0 : i32
    %dma_wait3A_72 = arith.constant 0 : i32
    %dma_wait3A_73 = tpu.memref_slice %arg8[%arg1, %dma_wait3A_66, %dma_wait3A_71, %dma_wait3A_72] : memref<16x2x200x128xf32, #tpu.memory_space<vmem_shared>> -> memref<1x1x200x128xf32, #tpu.memory_space<vmem_shared>>
    %dma_wait3A_74 = tpu.memref_squeeze %dma_wait3A_73 : memref<1x1x200x128xf32, #tpu.memory_space<vmem_shared>> -> memref<200x128xf32, #tpu.memory_space<vmem_shared>>
    tpu.wait_dma2 semaphore(%arg12 : memref<!tpu.dma_semaphore, #tpu.memory_space<semaphore_mem>>) src(%arg7 : memref<200x128xf32, #tpu.memory_space<vmem>>) dst(%dma_wait3A_74 : memref<200x128xf32, #tpu.memory_space<vmem_shared>>)
    %add3A_75 = arith.constant 200 : i32
    %add3A_76 = arith.addi %mul3A_2, %add3A_75 : i32
    %dma_start3A_77 = arith.constant 1 : i32
    %dma_start3A_78 = arith.constant 0 : i32
    %dma_start3A_79 = tpu.memref_slice %arg4[%add3A_76, %dma_start3A_78] : memref<819200x128xf32, #tpu.memory_space<hbm>> -> memref<200x128xf32, #tpu.memory_space<hbm>>
    %dma_start3A_80 = arith.constant 0 : i32
    %dma_start3A_81 = arith.constant 0 : i32
    %dma_start3A_82 = tpu.memref_slice %arg8[%arg1, %dma_start3A_77, %dma_start3A_80, %dma_start3A_81] : memref<16x2x200x128xf32, #tpu.memory_space<vmem_shared>> -> memref<1x1x200x128xf32, #tpu.memory_space<vmem_shared>>
    %dma_start3A_83 = tpu.memref_squeeze %dma_start3A_82 : memref<1x1x200x128xf32, #tpu.memory_space<vmem_shared>> -> memref<200x128xf32, #tpu.memory_space<vmem_shared>>
    tpu.enqueue_dma source(%dma_start3A_83 : memref<200x128xf32, #tpu.memory_space<vmem_shared>>) target(%dma_start3A_79 : memref<200x128xf32, #tpu.memory_space<hbm>>) target_semaphore(%arg14 : memref<!tpu.dma_semaphore, #tpu.memory_space<semaphore_mem>>)
    %multiple_of3A_84 = arith.constant 600 : i32
    %multiple_of3A_85 = tpu.assume_multiple %multiple_of3A_84, 8 : i32
    %dma_start3A_86 = tpu.memref_slice %arg5[%multiple_of3A_85] : memref<25600xi32, #tpu.memory_space<vmem>> -> memref<200xi32, #tpu.memory_space<vmem>>
    %dma_start3A_87 = arith.constant 0 : i32
    %dma_start3A_88 = arith.constant 0 : i32
    %dma_start3A_89 = tpu.memref_slice %arg3[%dma_start3A_87, %dma_start3A_88] : memref<1000000x128xf32, #tpu.memory_space<hbm>> -> memref<1000000x128xf32, #tpu.memory_space<hbm>>
    tpu.enqueue_indirect_dma source(%dma_start3A_89 : memref<1000000x128xf32, #tpu.memory_space<hbm>>) target(%arg7 : memref<200x128xf32, #tpu.memory_space<vmem>>) offsets(%dma_start3A_86 : memref<200xi32, #tpu.memory_space<vmem>>) semaphore(%arg10 : memref<!tpu.dma_semaphore, #tpu.memory_space<semaphore_mem>>)
    %scan3A = arith.constant 0 : i32
    %scan3A_90 = arith.constant 1 : i32
    %scan3A_91 = arith.constant 63 : i32
    %scan3A_92 = arith.addi %scan3A_90, %scan3A_91 : i32
    %scan3A_93 = arith.constant 1 : i32
    scf.for %scan3A_123 = %scan3A_90 to %scan3A_92 step %scan3A_93  : i32 {
      %mul3A_124 = arith.constant 2 : i32
      %mul3A_125 = arith.muli %mul3A_124, %scan3A_123 : i32
      %add3A_126 = arith.constant 0 : i32
      %add3A_127 = arith.addi %mul3A_125, %add3A_126 : i32
      %mul3A_128 = arith.constant 200 : i32
      %mul3A_129 = arith.muli %add3A_127, %mul3A_128 : i32
      %multiple_of3A_130 = tpu.assume_multiple %mul3A_129, 8 : i32
      %dma_wait3A_131 = tpu.memref_slice %arg5[%multiple_of3A_130] : memref<25600xi32, #tpu.memory_space<vmem>> -> memref<200xi32, #tpu.memory_space<vmem>>
      %dma_wait3A_132 = arith.constant 0 : i32
      %dma_wait3A_133 = arith.constant 0 : i32
      %dma_wait3A_134 = tpu.memref_slice %arg3[%dma_wait3A_132, %dma_wait3A_133] : memref<1000000x128xf32, #tpu.memory_space<hbm>> -> memref<1000000x128xf32, #tpu.memory_space<hbm>>
      tpu.wait_indirect_dma semaphore(%arg9 : memref<!tpu.dma_semaphore, #tpu.memory_space<semaphore_mem>>) src(%dma_wait3A_134 : memref<1000000x128xf32, #tpu.memory_space<hbm>>) dst(%arg6 : memref<200x128xf32, #tpu.memory_space<vmem>>)
      %dma_wait3A_135 = arith.constant 0 : i32
      %dma_wait3A_136 = arith.constant 0 : i32
      %dma_wait3A_137 = arith.constant 0 : i32
      %dma_wait3A_138 = tpu.memref_slice %arg4[%dma_wait3A_136, %dma_wait3A_137] : memref<819200x128xf32, #tpu.memory_space<hbm>> -> memref<200x128xf32, #tpu.memory_space<hbm>>
      %dma_wait3A_139 = arith.constant 0 : i32
      %dma_wait3A_140 = arith.constant 0 : i32
      %dma_wait3A_141 = tpu.memref_slice %arg8[%arg1, %dma_wait3A_135, %dma_wait3A_139, %dma_wait3A_140] : memref<16x2x200x128xf32, #tpu.memory_space<vmem_shared>> -> memref<1x1x200x128xf32, #tpu.memory_space<vmem_shared>>
      %dma_wait3A_142 = tpu.memref_squeeze %dma_wait3A_141 : memref<1x1x200x128xf32, #tpu.memory_space<vmem_shared>> -> memref<200x128xf32, #tpu.memory_space<vmem_shared>>
      tpu.wait_dma2 semaphore(%arg13 : memref<!tpu.dma_semaphore, #tpu.memory_space<semaphore_mem>>) src(%dma_wait3A_142 : memref<200x128xf32, #tpu.memory_space<vmem_shared>>) dst(%dma_wait3A_138 : memref<200x128xf32, #tpu.memory_space<hbm>>)
      %dma_start3A_143 = arith.constant 0 : i32
      %dma_start3A_144 = arith.constant 0 : i32
      %dma_start3A_145 = arith.constant 0 : i32
      %dma_start3A_146 = tpu.memref_slice %arg8[%arg1, %dma_start3A_143, %dma_start3A_144, %dma_start3A_145] : memref<16x2x200x128xf32, #tpu.memory_space<vmem_shared>> -> memref<1x1x200x128xf32, #tpu.memory_space<vmem_shared>>
      %dma_start3A_147 = tpu.memref_squeeze %dma_start3A_146 : memref<1x1x200x128xf32, #tpu.memory_space<vmem_shared>> -> memref<200x128xf32, #tpu.memory_space<vmem_shared>>
      %dma_start3A_148 = arith.constant 0 : i32
      %dma_start3A_149 = arith.constant 0 : i32
      %dma_start3A_150 = tpu.memref_slice %arg8[%arg1, %dma_start3A_143, %dma_start3A_148, %dma_start3A_149] : memref<16x2x200x128xf32, #tpu.memory_space<vmem_shared>> -> memref<1x1x200x128xf32, #tpu.memory_space<vmem_shared>>
      %dma_start3A_151 = tpu.memref_squeeze %dma_start3A_150 : memref<1x1x200x128xf32, #tpu.memory_space<vmem_shared>> -> memref<200x128xf32, #tpu.memory_space<vmem_shared>>
      tpu.enqueue_dma source(%arg6 : memref<200x128xf32, #tpu.memory_space<vmem>>) target(%dma_start3A_151 : memref<200x128xf32, #tpu.memory_space<vmem_shared>>) target_semaphore(%arg11 : memref<!tpu.dma_semaphore, #tpu.memory_space<semaphore_mem>>)
      %dma_wait3A_152 = arith.constant 0 : i32
      %dma_wait3A_153 = arith.constant 0 : i32
      %dma_wait3A_154 = arith.constant 0 : i32
      %dma_wait3A_155 = tpu.memref_slice %arg8[%arg1, %dma_wait3A_152, %dma_wait3A_153, %dma_wait3A_154] : memref<16x2x200x128xf32, #tpu.memory_space<vmem_shared>> -> memref<1x1x200x128xf32, #tpu.memory_space<vmem_shared>>
      %dma_wait3A_156 = tpu.memref_squeeze %dma_wait3A_155 : memref<1x1x200x128xf32, #tpu.memory_space<vmem_shared>> -> memref<200x128xf32, #tpu.memory_space<vmem_shared>>
      %dma_wait3A_157 = arith.constant 0 : i32
      %dma_wait3A_158 = arith.constant 0 : i32
      %dma_wait3A_159 = tpu.memref_slice %arg8[%arg1, %dma_wait3A_152, %dma_wait3A_157, %dma_wait3A_158] : memref<16x2x200x128xf32, #tpu.memory_space<vmem_shared>> -> memref<1x1x200x128xf32, #tpu.memory_space<vmem_shared>>
      %dma_wait3A_160 = tpu.memref_squeeze %dma_wait3A_159 : memref<1x1x200x128xf32, #tpu.memory_space<vmem_shared>> -> memref<200x128xf32, #tpu.memory_space<vmem_shared>>
      tpu.wait_dma2 semaphore(%arg11 : memref<!tpu.dma_semaphore, #tpu.memory_space<semaphore_mem>>) src(%arg6 : memref<200x128xf32, #tpu.memory_space<vmem>>) dst(%dma_wait3A_160 : memref<200x128xf32, #tpu.memory_space<vmem_shared>>)
      %mul3A_161 = arith.constant 200 : i32
      %mul3A_162 = arith.muli %add3A_127, %mul3A_161 : i32
      %add3A_163 = arith.addi %mul3A_2, %mul3A_162 : i32
      %dma_start3A_164 = arith.constant 0 : i32
      %dma_start3A_165 = arith.constant 0 : i32
      %dma_start3A_166 = tpu.memref_slice %arg4[%add3A_163, %dma_start3A_165] : memref<819200x128xf32, #tpu.memory_space<hbm>> -> memref<200x128xf32, #tpu.memory_space<hbm>>
      %dma_start3A_167 = arith.constant 0 : i32
      %dma_start3A_168 = arith.constant 0 : i32
      %dma_start3A_169 = tpu.memref_slice %arg8[%arg1, %dma_start3A_164, %dma_start3A_167, %dma_start3A_168] : memref<16x2x200x128xf32, #tpu.memory_space<vmem_shared>> -> memref<1x1x200x128xf32, #tpu.memory_space<vmem_shared>>
      %dma_start3A_170 = tpu.memref_squeeze %dma_start3A_169 : memref<1x1x200x128xf32, #tpu.memory_space<vmem_shared>> -> memref<200x128xf32, #tpu.memory_space<vmem_shared>>
      tpu.enqueue_dma source(%dma_start3A_170 : memref<200x128xf32, #tpu.memory_space<vmem_shared>>) target(%dma_start3A_166 : memref<200x128xf32, #tpu.memory_space<hbm>>) target_semaphore(%arg13 : memref<!tpu.dma_semaphore, #tpu.memory_space<semaphore_mem>>)
      %add3A_171 = arith.constant 2 : i32
      %add3A_172 = arith.addi %add3A_127, %add3A_171 : i32
      %min3A = arith.constant 127 : i32
      %min3A_173 = arith.minsi %add3A_172, %min3A : i32
      %mul3A_174 = arith.constant 200 : i32
      %mul3A_175 = arith.muli %min3A_173, %mul3A_174 : i32
      %multiple_of3A_176 = tpu.assume_multiple %mul3A_175, 8 : i32
      %dma_start3A_177 = tpu.memref_slice %arg5[%multiple_of3A_176] : memref<25600xi32, #tpu.memory_space<vmem>> -> memref<200xi32, #tpu.memory_space<vmem>>
      %dma_start3A_178 = arith.constant 0 : i32
      %dma_start3A_179 = arith.constant 0 : i32
      %dma_start3A_180 = tpu.memref_slice %arg3[%dma_start3A_178, %dma_start3A_179] : memref<1000000x128xf32, #tpu.memory_space<hbm>> -> memref<1000000x128xf32, #tpu.memory_space<hbm>>
      tpu.enqueue_indirect_dma source(%dma_start3A_180 : memref<1000000x128xf32, #tpu.memory_space<hbm>>) target(%arg6 : memref<200x128xf32, #tpu.memory_space<vmem>>) offsets(%dma_start3A_177 : memref<200xi32, #tpu.memory_space<vmem>>) semaphore(%arg9 : memref<!tpu.dma_semaphore, #tpu.memory_space<semaphore_mem>>)
      %mul3A_181 = arith.constant 2 : i32
      %mul3A_182 = arith.muli %mul3A_181, %scan3A_123 : i32
      %add3A_183 = arith.constant 1 : i32
      %add3A_184 = arith.addi %mul3A_182, %add3A_183 : i32
      %mul3A_185 = arith.constant 200 : i32
      %mul3A_186 = arith.muli %add3A_184, %mul3A_185 : i32
      %multiple_of3A_187 = tpu.assume_multiple %mul3A_186, 8 : i32
      %dma_wait3A_188 = tpu.memref_slice %arg5[%multiple_of3A_187] : memref<25600xi32, #tpu.memory_space<vmem>> -> memref<200xi32, #tpu.memory_space<vmem>>
      %dma_wait3A_189 = arith.constant 0 : i32
      %dma_wait3A_190 = arith.constant 0 : i32
      %dma_wait3A_191 = tpu.memref_slice %arg3[%dma_wait3A_189, %dma_wait3A_190] : memref<1000000x128xf32, #tpu.memory_space<hbm>> -> memref<1000000x128xf32, #tpu.memory_space<hbm>>
      tpu.wait_indirect_dma semaphore(%arg10 : memref<!tpu.dma_semaphore, #tpu.memory_space<semaphore_mem>>) src(%dma_wait3A_191 : memref<1000000x128xf32, #tpu.memory_space<hbm>>) dst(%arg7 : memref<200x128xf32, #tpu.memory_space<vmem>>)
      %dma_wait3A_192 = arith.constant 1 : i32
      %dma_wait3A_193 = arith.constant 0 : i32
      %dma_wait3A_194 = arith.constant 0 : i32
      %dma_wait3A_195 = tpu.memref_slice %arg4[%dma_wait3A_193, %dma_wait3A_194] : memref<819200x128xf32, #tpu.memory_space<hbm>> -> memref<200x128xf32, #tpu.memory_space<hbm>>
      %dma_wait3A_196 = arith.constant 0 : i32
      %dma_wait3A_197 = arith.constant 0 : i32
      %dma_wait3A_198 = tpu.memref_slice %arg8[%arg1, %dma_wait3A_192, %dma_wait3A_196, %dma_wait3A_197] : memref<16x2x200x128xf32, #tpu.memory_space<vmem_shared>> -> memref<1x1x200x128xf32, #tpu.memory_space<vmem_shared>>
      %dma_wait3A_199 = tpu.memref_squeeze %dma_wait3A_198 : memref<1x1x200x128xf32, #tpu.memory_space<vmem_shared>> -> memref<200x128xf32, #tpu.memory_space<vmem_shared>>
      tpu.wait_dma2 semaphore(%arg14 : memref<!tpu.dma_semaphore, #tpu.memory_space<semaphore_mem>>) src(%dma_wait3A_199 : memref<200x128xf32, #tpu.memory_space<vmem_shared>>) dst(%dma_wait3A_195 : memref<200x128xf32, #tpu.memory_space<hbm>>)
      %dma_start3A_200 = arith.constant 1 : i32
      %dma_start3A_201 = arith.constant 0 : i32
      %dma_start3A_202 = arith.constant 0 : i32
      %dma_start3A_203 = tpu.memref_slice %arg8[%arg1, %dma_start3A_200, %dma_start3A_201, %dma_start3A_202] : memref<16x2x200x128xf32, #tpu.memory_space<vmem_shared>> -> memref<1x1x200x128xf32, #tpu.memory_space<vmem_shared>>
      %dma_start3A_204 = tpu.memref_squeeze %dma_start3A_203 : memref<1x1x200x128xf32, #tpu.memory_space<vmem_shared>> -> memref<200x128xf32, #tpu.memory_space<vmem_shared>>
      %dma_start3A_205 = arith.constant 0 : i32
      %dma_start3A_206 = arith.constant 0 : i32
      %dma_start3A_207 = tpu.memref_slice %arg8[%arg1, %dma_start3A_200, %dma_start3A_205, %dma_start3A_206] : memref<16x2x200x128xf32, #tpu.memory_space<vmem_shared>> -> memref<1x1x200x128xf32, #tpu.memory_space<vmem_shared>>
      %dma_start3A_208 = tpu.memref_squeeze %dma_start3A_207 : memref<1x1x200x128xf32, #tpu.memory_space<vmem_shared>> -> memref<200x128xf32, #tpu.memory_space<vmem_shared>>
      tpu.enqueue_dma source(%arg7 : memref<200x128xf32, #tpu.memory_space<vmem>>) target(%dma_start3A_208 : memref<200x128xf32, #tpu.memory_space<vmem_shared>>) target_semaphore(%arg12 : memref<!tpu.dma_semaphore, #tpu.memory_space<semaphore_mem>>)
      %dma_wait3A_209 = arith.constant 1 : i32
      %dma_wait3A_210 = arith.constant 0 : i32
      %dma_wait3A_211 = arith.constant 0 : i32
      %dma_wait3A_212 = tpu.memref_slice %arg8[%arg1, %dma_wait3A_209, %dma_wait3A_210, %dma_wait3A_211] : memref<16x2x200x128xf32, #tpu.memory_space<vmem_shared>> -> memref<1x1x200x128xf32, #tpu.memory_space<vmem_shared>>
      %dma_wait3A_213 = tpu.memref_squeeze %dma_wait3A_212 : memref<1x1x200x128xf32, #tpu.memory_space<vmem_shared>> -> memref<200x128xf32, #tpu.memory_space<vmem_shared>>
      %dma_wait3A_214 = arith.constant 0 : i32
      %dma_wait3A_215 = arith.constant 0 : i32
      %dma_wait3A_216 = tpu.memref_slice %arg8[%arg1, %dma_wait3A_209, %dma_wait3A_214, %dma_wait3A_215] : memref<16x2x200x128xf32, #tpu.memory_space<vmem_shared>> -> memref<1x1x200x128xf32, #tpu.memory_space<vmem_shared>>
      %dma_wait3A_217 = tpu.memref_squeeze %dma_wait3A_216 : memref<1x1x200x128xf32, #tpu.memory_space<vmem_shared>> -> memref<200x128xf32, #tpu.memory_space<vmem_shared>>
      tpu.wait_dma2 semaphore(%arg12 : memref<!tpu.dma_semaphore, #tpu.memory_space<semaphore_mem>>) src(%arg7 : memref<200x128xf32, #tpu.memory_space<vmem>>) dst(%dma_wait3A_217 : memref<200x128xf32, #tpu.memory_space<vmem_shared>>)
      %mul3A_218 = arith.constant 200 : i32
      %mul3A_219 = arith.muli %add3A_184, %mul3A_218 : i32
      %add3A_220 = arith.addi %mul3A_2, %mul3A_219 : i32
      %dma_start3A_221 = arith.constant 1 : i32
      %dma_start3A_222 = arith.constant 0 : i32
      %dma_start3A_223 = tpu.memref_slice %arg4[%add3A_220, %dma_start3A_222] : memref<819200x128xf32, #tpu.memory_space<hbm>> -> memref<200x128xf32, #tpu.memory_space<hbm>>
      %dma_start3A_224 = arith.constant 0 : i32
      %dma_start3A_225 = arith.constant 0 : i32
      %dma_start3A_226 = tpu.memref_slice %arg8[%arg1, %dma_start3A_221, %dma_start3A_224, %dma_start3A_225] : memref<16x2x200x128xf32, #tpu.memory_space<vmem_shared>> -> memref<1x1x200x128xf32, #tpu.memory_space<vmem_shared>>
      %dma_start3A_227 = tpu.memref_squeeze %dma_start3A_226 : memref<1x1x200x128xf32, #tpu.memory_space<vmem_shared>> -> memref<200x128xf32, #tpu.memory_space<vmem_shared>>
      tpu.enqueue_dma source(%dma_start3A_227 : memref<200x128xf32, #tpu.memory_space<vmem_shared>>) target(%dma_start3A_223 : memref<200x128xf32, #tpu.memory_space<hbm>>) target_semaphore(%arg14 : memref<!tpu.dma_semaphore, #tpu.memory_space<semaphore_mem>>)
      %add3A_228 = arith.constant 2 : i32
      %add3A_229 = arith.addi %add3A_184, %add3A_228 : i32
      %min3A_230 = arith.constant 127 : i32
      %min3A_231 = arith.minsi %add3A_229, %min3A_230 : i32
      %mul3A_232 = arith.constant 200 : i32
      %mul3A_233 = arith.muli %min3A_231, %mul3A_232 : i32
      %multiple_of3A_234 = tpu.assume_multiple %mul3A_233, 8 : i32
      %dma_start3A_235 = tpu.memref_slice %arg5[%multiple_of3A_234] : memref<25600xi32, #tpu.memory_space<vmem>> -> memref<200xi32, #tpu.memory_space<vmem>>
      %dma_start3A_236 = arith.constant 0 : i32
      %dma_start3A_237 = arith.constant 0 : i32
      %dma_start3A_238 = tpu.memref_slice %arg3[%dma_start3A_236, %dma_start3A_237] : memref<1000000x128xf32, #tpu.memory_space<hbm>> -> memref<1000000x128xf32, #tpu.memory_space<hbm>>
      tpu.enqueue_indirect_dma source(%dma_start3A_238 : memref<1000000x128xf32, #tpu.memory_space<hbm>>) target(%arg7 : memref<200x128xf32, #tpu.memory_space<vmem>>) offsets(%dma_start3A_235 : memref<200xi32, #tpu.memory_space<vmem>>) semaphore(%arg10 : memref<!tpu.dma_semaphore, #tpu.memory_space<semaphore_mem>>)
    }
    %scan3A_94 = arith.constant 63 : i32
    %multiple_of3A_95 = arith.constant 25400 : i32
    %multiple_of3A_96 = tpu.assume_multiple %multiple_of3A_95, 8 : i32
    %dma_wait3A_97 = tpu.memref_slice %arg5[%multiple_of3A_96] : memref<25600xi32, #tpu.memory_space<vmem>> -> memref<200xi32, #tpu.memory_space<vmem>>
    %dma_wait3A_98 = arith.constant 0 : i32
    %dma_wait3A_99 = arith.constant 0 : i32
    %dma_wait3A_100 = tpu.memref_slice %arg3[%dma_wait3A_98, %dma_wait3A_99] : memref<1000000x128xf32, #tpu.memory_space<hbm>> -> memref<1000000x128xf32, #tpu.memory_space<hbm>>
    tpu.wait_indirect_dma semaphore(%arg9 : memref<!tpu.dma_semaphore, #tpu.memory_space<semaphore_mem>>) src(%dma_wait3A_100 : memref<1000000x128xf32, #tpu.memory_space<hbm>>) dst(%arg6 : memref<200x128xf32, #tpu.memory_space<vmem>>)
    %dma_wait3A_101 = arith.constant 0 : i32
    %dma_wait3A_102 = arith.constant 0 : i32
    %dma_wait3A_103 = arith.constant 0 : i32
    %dma_wait3A_104 = tpu.memref_slice %arg4[%dma_wait3A_102, %dma_wait3A_103] : memref<819200x128xf32, #tpu.memory_space<hbm>> -> memref<200x128xf32, #tpu.memory_space<hbm>>
    %dma_wait3A_105 = arith.constant 0 : i32
    %dma_wait3A_106 = arith.constant 0 : i32
    %dma_wait3A_107 = tpu.memref_slice %arg8[%arg1, %dma_wait3A_101, %dma_wait3A_105, %dma_wait3A_106] : memref<16x2x200x128xf32, #tpu.memory_space<vmem_shared>> -> memref<1x1x200x128xf32, #tpu.memory_space<vmem_shared>>
    %dma_wait3A_108 = tpu.memref_squeeze %dma_wait3A_107 : memref<1x1x200x128xf32, #tpu.memory_space<vmem_shared>> -> memref<200x128xf32, #tpu.memory_space<vmem_shared>>
    tpu.wait_dma2 semaphore(%arg13 : memref<!tpu.dma_semaphore, #tpu.memory_space<semaphore_mem>>) src(%dma_wait3A_108 : memref<200x128xf32, #tpu.memory_space<vmem_shared>>) dst(%dma_wait3A_104 : memref<200x128xf32, #tpu.memory_space<hbm>>)
    %multiple_of3A_109 = arith.constant 25400 : i32
    %multiple_of3A_110 = tpu.assume_multiple %multiple_of3A_109, 8 : i32
    %dma_wait3A_111 = tpu.memref_slice %arg5[%multiple_of3A_110] : memref<25600xi32, #tpu.memory_space<vmem>> -> memref<200xi32, #tpu.memory_space<vmem>>
    %dma_wait3A_112 = arith.constant 0 : i32
    %dma_wait3A_113 = arith.constant 0 : i32
    %dma_wait3A_114 = tpu.memref_slice %arg3[%dma_wait3A_112, %dma_wait3A_113] : memref<1000000x128xf32, #tpu.memory_space<hbm>> -> memref<1000000x128xf32, #tpu.memory_space<hbm>>
    tpu.wait_indirect_dma semaphore(%arg10 : memref<!tpu.dma_semaphore, #tpu.memory_space<semaphore_mem>>) src(%dma_wait3A_114 : memref<1000000x128xf32, #tpu.memory_space<hbm>>) dst(%arg7 : memref<200x128xf32, #tpu.memory_space<vmem>>)
    %dma_wait3A_115 = arith.constant 1 : i32
    %dma_wait3A_116 = arith.constant 0 : i32
    %dma_wait3A_117 = arith.constant 0 : i32
    %dma_wait3A_118 = tpu.memref_slice %arg4[%dma_wait3A_116, %dma_wait3A_117] : memref<819200x128xf32, #tpu.memory_space<hbm>> -> memref<200x128xf32, #tpu.memory_space<hbm>>
    %dma_wait3A_119 = arith.constant 0 : i32
    %dma_wait3A_120 = arith.constant 0 : i32
    %dma_wait3A_121 = tpu.memref_slice %arg8[%arg1, %dma_wait3A_115, %dma_wait3A_119, %dma_wait3A_120] : memref<16x2x200x128xf32, #tpu.memory_space<vmem_shared>> -> memref<1x1x200x128xf32, #tpu.memory_space<vmem_shared>>
    %dma_wait3A_122 = tpu.memref_squeeze %dma_wait3A_121 : memref<1x1x200x128xf32, #tpu.memory_space<vmem_shared>> -> memref<200x128xf32, #tpu.memory_space<vmem_shared>>
    tpu.wait_dma2 semaphore(%arg14 : memref<!tpu.dma_semaphore, #tpu.memory_space<semaphore_mem>>) src(%dma_wait3A_122 : memref<200x128xf32, #tpu.memory_space<vmem_shared>>) dst(%dma_wait3A_118 : memref<200x128xf32, #tpu.memory_space<hbm>>)
    return
  }
}

</mosaic_0001>

<sc_bundles>
// kernel: _embed.3.cloned.1.call-start
scs
__scs_entry_jumppad:
0x0: {  	(pc) =	sbr.rel $0x88, $3  }
0x1: {  	(tag) =	ssettag $0x0;
	lr =	simm.s32 $0x1  }
0x2: {  	[smem:$0x3F9F] =	sst lr;
	_ =	strace $0xD0000000  }
0x3: {  	_ = 	snop  }
0x4: {  	_ = 	snop  }
0x5: {  	_ = 	snop  }
0x6: {  	_ = 	snop  }
0x7: {  	_ = 	snop  }
__scs_overlays_trampoline_lowered:
0x8: {  	[smem:$0x3FAE] =	sst s0  }
0x9: {  	[smem:$0x3FAF] =	sst s1  }
0xa: {  	[smem:$0x3FB0] =	sst s2  }
0xb: {  	[smem:$0x3FB1] =	sst s3  }
0xc: {  	[smem:$0x3FB2] =	sst s4  }
0xd: {  	[smem:$0x3FB3] =	sst s5  }
0xe: {  	[smem:$0x3FB4] =	sst s6  }
0xf: {  	[smem:$0x3FB5] =	sst s7  }
0x10: {  	[smem:$0x3FB6] =	sst s8  }
0x11: {  	[smem:$0x3FB7] =	sst s9;
	s0 =	simm.s32 @!p0 $0x0  }
0x12: {  	s1 =	sld [smem:$0x3F9D];
	s0 =	simm.s32 @p0 $0x1  }
0x13: {  	[smem:$0x3FB8] =	sst s0;
	s0 =	simm.s32 @!p1 $0x0  }
0x14: {  	s2 =	sld [smem:$0x3F9C];
	s0 =	simm.s32 @p1 $0x1  }
0x15: {  	[smem:$0x3FB9] =	sst s0;
	s0 =	simm.s32 @!p2 $0x0  }
0x16: {  	s3 =	sld [smem:$0x3FDB];
	s0 =	simm.s32 @p2 $0x1  }
0x17: {  	s4 =	simm.s32 $0x1BF5;
	[smem:$0x3FBB] =	sst s0  }
0x18: {  	s0 =	sld [smem:$0x3F9E];
	_ =	swait.ge [sflag:s4], $0x0  }
0x19: {  	s7 =	sld [smem:$0x3F9F]  }
0x1a: {  	s8 =	sadd.s32 $0xFFFFE003, lr  }
0x1b: {  	s9 =	sadd.s32 $0xFFFFFEF7, lr;
	s5 =	simm.s32 $0xFFFFFFFF;
	p2 =	slt.u32 s8, $0xFFFFF086  }
0x1c: {  	p1 =	slt.u32 s9, $0xF7A;
	s5 =	simm.s32 @!p2 $0x0  }
0x1d: {  	s5 =	simm.s32 @p1 $0x1;
	p0 =	seq.s32 s7, s2  }
0x1e: {  	s7 =	smul.u32 @!p0 $0xF7A, s2;
	p2 =	seq.s32 @!p0 s5, $0x0  }
0x1f: {  	s9 =	smul.u32 $0xF7A, s1;
	s8 =	simm.s32 @!p0 $0x1BF5;
	p2 =	por !p2, p0  }
0x20: {  	[sflag:s8] =	ssyncset.s32 @!p0 $0xFFFFF086;
	s6 =	sadd.s32 @!p0 s3, s7;
	s7 =	simm.s32 @!p0 $0x108  }
0x21: {  	s3 =	sadd.s32 s3, s9;
	s6 =	sadd.s32 @!p0 $0x88, s6;
	s7 =	simm.s32 @p2 $0x1082  }
0x22: {  	[simem:s7], [sflag:s8] =	dma.local @!p0 [hbm:s6], $0xF7A  }
0x23: {  	s9 =	sor.u32 $0xD0000000, s2;
	s6 =	simm.s32 $0x108;
	_ =	swait.ge @!p0 [sflag:s8], $0x0  }
0x24: {  	s3 =	sadd.s32 $0x88, s3;
	s6 =	simm.s32 @!p1 $0x1082;
	[sflag:s4] =	ssyncset.s32 $0xFFFFF086  }
0x25: {  	[simem:s6], [sflag:s4] =	dma.local [hbm:s3], $0xF7A  }
0x26: {  	[smem:$0x3F9F] =	sst s1;
	(tag) =	ssettag s2;
	_ =	strace s9  }
0x27: {  	s1 =	sld [smem:$0x3FAF]  }
0x28: {  	s2 =	sld [smem:$0x3FB0]  }
0x29: {  	s4 =	sld [smem:$0x3FB2]  }
0x2a: {  	p0 =	seq.s32 s5, $0x0;
	s5 =	sld [smem:$0x3FB3]  }
0x2b: {  	s6 =	sld [smem:$0x3FB4]  }
0x2c: {  	s7 =	sld [smem:$0x3FB5]  }
0x2d: {  	s3 =	simm.s32 $0x108;
	s8 =	sld [smem:$0x3FB6]  }
0x2e: {  	s3 =	simm.s32 @!p0 $0x1082;
	s9 =	sld [smem:$0x3FB7]  }
0x2f: {  	lr =	sadd.s32 s0, s3;
	s0 =	sld [smem:$0x3FAE]  }
0x30: {  	s3 =	sld [smem:$0x3FB1]  }
0x31: {  	[smem:$0x3FBA] =	sst s10  }
0x32: {  	s10 =	sld [smem:$0x3FB8];
	_ =	sdelay $0x3  }
0x33: {  	p0 =	seq.s32 s10, $0x1;
	s10 =	sld [smem:$0x3FBA];
	_ =	sdelay $0x3  }
0x34: {  	[smem:$0x3FBA] =	sst s10  }
0x35: {  	s10 =	sld [smem:$0x3FB9];
	_ =	sdelay $0x3  }
0x36: {  	p1 =	seq.s32 s10, $0x1;
	s10 =	sld [smem:$0x3FBA];
	_ =	sdelay $0x3  }
0x37: {  	[smem:$0x3FBA] =	sst s10  }
0x38: {  	s10 =	sld [smem:$0x3FBB]  }
0x39: {  	_ = 	snop;
	(pc) =	sbr.ind lr, $3  }
0x3a: {  	_ = 	snop  }
0x3b: {  	_ = 	snop  }
0x3c: {  	p2 =	seq.s32 s10, $0x1;
	s10 =	sld [smem:$0x3FBA]  }
0x3d: {  	_ =	shalt  }
0x3e: {  	_ =	shalt  }
0x3f: {  	_ =	shalt  }
0x40: {  	_ =	shalt  }
0x41: {  	_ =	shalt  }
0x42: {  	_ =	shalt  }
0x43: {  	_ =	shalt  }
0x44: {  	_ =	shalt  }
0x45: {  	_ =	shalt  }
0x46: {  	_ =	shalt  }
0x47: {  	_ =	shalt  }
0x48: {  	_ =	shalt  }
0x49: {  	_ =	shalt  }
0x4a: {  	_ =	shalt  }
0x4b: {  	_ =	shalt  }
0x4c: {  	_ =	shalt  }
0x4d: {  	_ =	shalt  }
0x4e: {  	_ =	shalt  }
0x4f: {  	_ =	shalt  }
0x50: {  	_ =	shalt  }
0x51: {  	_ =	shalt  }
0x52: {  	_ =	shalt  }
0x53: {  	_ =	shalt  }
0x54: {  	_ =	shalt  }
0x55: {  	_ =	shalt  }
0x56: {  	_ =	shalt  }
0x57: {  	_ =	shalt  }
0x58: {  	_ =	shalt  }
0x59: {  	_ =	shalt  }
0x5a: {  	_ =	shalt  }
0x5b: {  	_ =	shalt  }
0x5c: {  	_ =	shalt  }
0x5d: {  	_ =	shalt  }
0x5e: {  	_ =	shalt  }
0x5f: {  	_ =	shalt  }
0x60: {  	_ =	shalt  }
0x61: {  	_ =	shalt  }
0x62: {  	_ =	shalt  }
0x63: {  	_ =	shalt  }
0x64: {  	_ =	shalt  }
0x65: {  	_ =	shalt  }
0x66: {  	_ =	shalt  }
0x67: {  	_ =	shalt  }
0x68: {  	_ =	shalt  }
0x69: {  	_ =	shalt  }
0x6a: {  	_ =	shalt  }
0x6b: {  	_ =	shalt  }
0x6c: {  	_ =	shalt  }
0x6d: {  	_ =	shalt  }
0x6e: {  	_ =	shalt  }
0x6f: {  	_ =	shalt  }
0x70: {  	_ =	shalt  }
0x71: {  	_ =	shalt  }
0x72: {  	_ =	shalt  }
0x73: {  	_ =	shalt  }
0x74: {  	_ =	shalt  }
0x75: {  	_ =	shalt  }
0x76: {  	_ =	shalt  }
0x77: {  	_ =	shalt  }
0x78: {  	_ =	shalt  }
0x79: {  	_ =	shalt  }
0x7a: {  	_ =	shalt  }
0x7b: {  	_ =	shalt  }
0x7c: {  	_ =	shalt  }
0x7d: {  	_ =	shalt  }
0x7e: {  	_ =	shalt  }
0x7f: {  	_ =	shalt  }
0x80: {  	_ =	shalt  }
0x81: {  	_ =	shalt  }
0x82: {  	_ =	shalt  }
0x83: {  	_ =	shalt  }
0x84: {  	_ =	shalt  }
0x85: {  	_ =	shalt  }
0x86: {  	_ =	shalt  }
0x87: {  	_ =	shalt  }
.Lfunc_end0:
.L_simem_size_0:
called_computation_lowered:
.L_overlay_start_0:
0x88: {  	s2 =	sld [smem:$0x3FD9]  }
0x89: {  	s3 =	sld [smem:$0x3FFE];
	_ =	sdelay $0x1  }
0x8a: {  	s1 =	srdreg.scid  }
0x8b: {  	s0 =	sand.u32 $0x1, s1  }
0x8c: {  	s18 =	sshll.u32 s0, $0xA;
	s2 =	sadd.s32 s3, s2  }
0x8d: {  	s2 =	sadd.s32 s2, s18  }
0x8e: {  	[smem:$0x3FC6] =	sst s2  }
0x8f: {  	_ = 	snop  }
0x90: {  	s2 =	sld [smem:$0x3FC9]  }
0x91: {  	s19 =	sld [smem:$0x3FC8]  }
0x92: {  	s4 =	sld [smem:$0x3FD0];
	(tm) =	ssettm $0x1  }
0x93: {  	s5 =	sld [smem:$0x3FFB];
	_ =	sdelay $0x3  }
0x94: {  	_ =	strace s5  }
0x95: {  	s5 =	sld [smem:$0x3FFC];
	_ =	sdelay $0x3  }
0x96: {  	_ =	strace s5  }
0x97: {  	s5 =	sld [smem:$0x3FFD];
	_ =	sdelay $0x3  }
0x98: {  	_ =	strace s5  }
0x99: {  	_ =	strace $0x8FFFFFFF  }
0x9a: {  	s20 =	sld [smem:$0x3FDB];
	_ =	sdelay $0x1  }
0x9b: {  	s6 =	simm.s32 $_scs_section_size  }
0x9c: {  	s7 =	simm.s32 $_size__tile_overlayer_lowered;
	s8 =	simm.s32 $_tile_overlayer_lowered  }
0x9d: {  	s23 =	simm.s32 $0x1BFF;
	s22 =	sshll.u32 s8, $0x1;
	s5 =	sadd.s32 s6, s20  }
0x9e: {  	s9 =	simm.s32 $0x0;
	s21 =	sshll.u32 s7, $0x1;
	s7 =	sadd.s32 s22, s5  }
0x9f: {  	[timem:s9], [sflag:s23] =	dma.local [hbm:s7], s21  }
0xa0: {  	_ =	swait.ge [sflag:s23], s21  }
0xa1: {  	s6 =	ssub.s32 $0x0, s21;
	[sflag:s23] =	ssyncset.done $0x0  }
0xa2: {  	[sflag:s23] =	ssyncadd.s32 s6;
	_ =	sdelay $0x1  }
0xa3: {  	s24 =	simm.s32 $0x1B8B  }
0xa4: {  	_ =	swait.ge [sflag:s24], $0x1  }
0xa5: {  	[sflag:s24] =	ssyncset.done $0x0  }
0xa6: {  	s25 =	simm.s32 $0x1B8E;
	[sflag:s24] =	ssyncadd.s32 $0xFFFFFFFF  }
0xa7: {  	s26 =	simm.s32 $execute0_lowered;
	[smem:$0x3FD2] =	sst s25  }
0xa8: {  	s6 =	sshll.u32 s26, $0x1;
	_ =	strace $0x80000046;
	[dreg:$0x1] =	wrdreg $0xFFFFFFFF  }
0xa9: {  	s28 =	simm.s32 $_size_execute0_lowered;
	s5 =	sadd.s32 s5, s6;
	[dreg:$0x0] =	wrdreg $0x0  }
0xaa: {  	s6 =	sshll.u32 s28, $0x1;
	[dreg:$0x2] =	wrdreg s5  }
0xab: {  	[dreg:$0x3] =	wrdreg s6  }
0xac: {  	[dreg:$0x4] =	wrdreg $0xC0  }
0xad: {  	_ =	task [dreg:s9], $0x5FFFF  }
0xae: {  	[dreg:$0x1] =	wrdreg $0xFFFFFFFF  }
0xaf: {  	[dreg:$0x0] =	wrdreg $0x60  }
0xb0: {  	[dreg:$0x2] =	wrdreg s2  }
0xb1: {  	[dreg:$0x3] =	wrdreg s19  }
0xb2: {  	[dreg:$0x4] =	wrdreg s4  }
0xb3: {  	[dreg:$0x5] =	wrdreg $0x12C000  }
0xb4: {  	[dreg:$0x6] =	wrdreg $0x9  }
0xb5: {  	_ =	task.clear_ibuf [dreg:s9], $0x7FFFF;
	_ =	strace $0x90000046  }
0xb6: {  	s29 =	simm.s32 $0x9;
	_ =	strace $0x80000048  }
0xb7: {  	_ =	swait.ge [sflag:s29], $0x1  }
0xb8: {  	[sflag:s29] =	ssyncadd.s32 $0xFFFFFFFF  }
0xb9: {  	_ =	strace $0x90000048  }
0xba: {  	_ =	sfence  }
0xbb: {  	s30 =	sld [smem:$0x0];
	_ =	sdelay $0x2  }
0xbc: {  	s31 =	sshll.u32 s1, $0xD;
	s1 =	sshrl.u32 s1, $0x2  }
0xbd: {  	s3 =	sand.u32 $0x4000, s31;
	s1 =	sadd.s32 s1, s30  }
0xbe: {  	s0 =	sor.u32 s3, s0;
	s1 =	sshll.u32 s1, $0x11  }
0xbf: {  	s0 =	sor.u32 s1, s0  }
0xc0: {  	s0 =	sadd.s32 $0x8F2B, s0  }
0xc1: {  	[sflag:s0] =	ssyncadd.remote.s32 $0x1  }
0xc2: {  	_ =	sfence.sel $0xFFFF  }
0xc3: {  	[dreg:$0x0] =	wrdreg $0xFFFFFFFF;
	(pc) =	sbr.abs _section_cstart, $3  }
0xc4: {  	[dreg:$0x1] =	wrdreg $0xFFFFFFFF  }
0xc5: {  	_ =	task.clear_ibuf [dreg:s9], $0x2FFFF;
	_ =	strace $0x9FFFFFFF  }
0xc6: {  	(tm) =	ssettm $0x7FFFFFFF  }
0xc7: {  	_ =	shalt  }
tec
execute0_lowered:
.L_overlay_start_1:
0x0: {  	(tag) =	ssettag $0x1  }
0x1: {  	s0 =	rddreg [dreg:$0x0]  }
0x2: {  	s1 =	rddreg [dreg:$0x1]  }
0x3: {  	s2 =	rddreg [dreg:$0x2]  }
0x4: {  	s3 =	srdreg.scid;
	s14 =	stileid.u32  }
0x5: {  	s4 =	rddreg [dreg:$0x3];
	s8 =	simm.s32 $0x0;
	s15 =	simm.s32 $0x7  }
0x6: {  	s16 =	simm.s32 $0xC8;
	s17 =	simm.s32 $0x6400;
	s18 =	simm.s32 $0xC800  }
0x7: {  	s19 =	simm.s32 $0x1;
	s21 =	simm.s32 $0x3;
	s29 =	simm.s32 $0x5  }
0x8: {  	s30 =	simm.s32 $0x6;
	s3 =	sand.u32 $0x1, s3;
	s9 =	smul.u32 $0x32000, s14  }
0x9: {  	s5 =	sshll.u32 s14, $0x1;
	[smem:$0x7FF] =	sst s8;
	s26 =	smul.u32 $0xC8000, s14  }
0xa: {  	s5 =	sor.u32 s3, s5;
	s6 =	ssub.s32 $0x2, s3;
	s3 =	smul.u32 $0x64000, s3  }
0xb: {  	s20 =	sshll.u32 s14, $0x6;
	_ =	strace $0x80000047;
	s7 =	smul.u32 $0x6400, s5  }
0xc: {  	s22 =	sshrl.u32 s6, $0x1;
	s24 =	sshrl.u32 s9, $0x2;
	s25 =	smul.u32 $0x64000, s5  }
0xd: {  	s8 =	ssub.s32 s6, s22;
	s5 =	sadd.s32 s24, s4;
	s22 =	sor.u32 $0x1C05, s20  }
0xe: {  	s23 =	sshrl.u32 s7, $0x3;
	s6 =	sadd.s32 s2, s25;
	s7 =	sadd.s32 $0x6400, s5  }
0xf: {  	s31 =	smax.u32 s8, $0x1;
	s25 =	simm.s32 $0x2;
	s0 =	sadd.s32 s0, s23  }
0x10: {  	s28 =	sadd.s32 $0xC80, s6;
	[dreg:$0x7] =	wrdreg s31;
	s10 =	sadd.s32 $0x62700, s6  }
0x11: {  	s11 =	sadd.s32 $0x63380, s6;
	s12 =	sadd.s32 $0x60E00, s6;
	s13 =	sadd.s32 $0x61A80, s6  }
0x12: {  	s23 =	sshrl.u32 s5, $0x3;
	[dreg:$0x5] =	wrdreg s0;
	s0 =	sadd.s32 s26, s2  }
0x13: {  	[dreg:$0x6] =	wrdreg s28;
	s26 =	simm.s32 $0x4;
	s0 =	sadd.s32 s3, s0  }
0x14: {  	s2 =	simm.s32 $0x6338;
	s4 =	sadd.s32 $0x2580, s0;
	s0 =	simm.s32 $0x0  }
.LBB2_1:
0x15: {  	s3 =	simm.s32 $0x0;
	s8 =	rddreg [dreg:$0x5]  }
0x16: {  	[tilespmem:s3], [sflag:$0x7] =	stream.linear.gather [hbm4b:s8+s3], $0x6400, $0x38;
	[tilespmem:$0x1F400] =	vst v63  }
0x17: {  	_ =	swait.ge [sflag:s15], $0x6400  }
0x18: {  	[sflag:s15] =	ssyncset.done $0x0  }
0x19: {  	[sflag:s15] =	ssyncadd.s32 $0xFFFF9C00  }
0x1a: {  	[tilespmem:s17], [sflag:$0x1] =	stream.indirect.gather [hbm4b:s1+s16], $0x80, s3, s16, $0xb8;
	[tilespmem:$0x1F400] =	vst v63  }
0x1b: {  	_ = 	snop  }
0x1c: {  	[tilespmem:s18], [sflag:$0x2] =	stream.indirect.gather [hbm4b:s1+s16], $0x80, s16, s16, $0xb8;
	[tilespmem:$0x1F400] =	vst v63  }
0x1d: {  	_ =	swait.ge [sflag:s19], $0x6400  }
0x1e: {  	[sflag:s19] =	ssyncset.done $0x0  }
0x1f: {  	[sflag:s19] =	ssyncadd.s32 $0xFFFF9C00  }
0x20: {  	[spmem:s5] =	stream.linear.scatter [tilespmem:s17], [sflag:$0x3], $0x6400, $0x38;
	[tilespmem:$0x1F400] =	vst v63  }
0x21: {  	_ =	swait.ge [sflag:s21], $0x6400  }
0x22: {  	[sflag:s21] =	ssyncset.done $0x0  }
0x23: {  	s9 =	simm.s32 $0x190;
	[sflag:s21] =	ssyncadd.s32 $0xFFFF9C00  }
0x24: {  	[hbm:s6], [sflag:s22] =	dma.local [spmem:s23], $0xC80  }
0x25: {  	[tilespmem:s17], [sflag:$0x1] =	stream.indirect.gather [hbm4b:s1+s16], $0x80, s9, s16, $0xb8;
	[tilespmem:$0x1F400] =	vst v63  }
0x26: {  	_ =	swait.ge [sflag:s25], $0x6400  }
0x27: {  	[sflag:s25] =	ssyncset.done $0x0  }
0x28: {  	[sflag:s25] =	ssyncadd.s32 $0xFFFF9C00  }
0x29: {  	[spmem:s7] =	stream.linear.scatter [tilespmem:s18], [sflag:$0x4], $0x6400, $0x38;
	[tilespmem:$0x1F400] =	vst v63  }
0x2a: {  	_ =	swait.ge [sflag:s26], $0x6400  }
0x2b: {  	s24 =	sor.u32 $0x1C06, s20;
	s28 =	sshrl.u32 s7, $0x3;
	[sflag:s26] =	ssyncset.done $0x0  }
0x2c: {  	s8 =	simm.s32 $0x258;
	s14 =	rddreg [dreg:$0x6];
	[sflag:s26] =	ssyncadd.s32 $0xFFFF9C00  }
0x2d: {  	[hbm:s14], [sflag:s24] =	dma.local [spmem:s28], $0xC80  }
0x2e: {  	[tilespmem:s18], [sflag:$0x2] =	stream.indirect.gather [hbm4b:s1+s16], $0x80, s8, s16, $0xb8;
	[tilespmem:$0x1F400] =	vst v63  }
0x2f: {  	_ =	swait.ge [sflag:s19], $0x6400  }
0x30: {  	[sflag:s19] =	ssyncset.done $0x0  }
0x31: {  	[sflag:s19] =	ssyncadd.s32 $0xFFFF9C00  }
0x32: {  	_ =	swait.ge [sflag:s29], $0xC80  }
0x33: {  	[sflag:s29] =	ssyncset.done $0x0  }
0x34: {  	[sflag:s29] =	ssyncadd.s32 $0xFFFFF380  }
0x35: {  	[spmem:s5] =	stream.linear.scatter [tilespmem:s17], [sflag:$0x3], $0x6400, $0x38;
	[tilespmem:$0x1F400] =	vst v63  }
0x36: {  	_ =	swait.ge [sflag:s21], $0x6400  }
0x37: {  	[sflag:s21] =	ssyncset.done $0x0  }
0x38: {  	s9 =	sadd.s32 $0xFFFFF380, s4;
	s14 =	simm.s32 $0x320;
	[sflag:s21] =	ssyncadd.s32 $0xFFFF9C00  }
0x39: {  	[hbm:s9], [sflag:s22] =	dma.local [spmem:s23], $0xC80  }
0x3a: {  	[tilespmem:s17], [sflag:$0x1] =	stream.indirect.gather [hbm4b:s1+s16], $0x80, s14, s16, $0xb8;
	[tilespmem:$0x1F400] =	vst v63  }
0x3b: {  	_ =	swait.ge [sflag:s25], $0x6400  }
0x3c: {  	[sflag:s25] =	ssyncset.done $0x0  }
0x3d: {  	[sflag:s25] =	ssyncadd.s32 $0xFFFF9C00  }
0x3e: {  	_ =	swait.ge [sflag:s30], $0xC80  }
0x3f: {  	[sflag:s30] =	ssyncset.done $0x0  }
0x40: {  	[sflag:s30] =	ssyncadd.s32 $0xFFFFF380  }
0x41: {  	[spmem:s7] =	stream.linear.scatter [tilespmem:s18], [sflag:$0x4], $0x6400, $0x38;
	[tilespmem:$0x1F400] =	vst v63  }
0x42: {  	_ =	swait.ge [sflag:s26], $0x6400  }
0x43: {  	s31 =	simm.s32 $0x640;
	s3 =	sadd.s32 $0x1900, s4;
	[sflag:s26] =	ssyncset.done $0x0  }
0x44: {  	s8 =	simm.s32 $0x3E8;
	s14 =	smov.u32 s4;
	[sflag:s26] =	ssyncadd.s32 $0xFFFF9C00  }
.LBB2_2:
0x45: {  	[hbm:s14], [sflag:s24] =	dma.local [spmem:s28], $0xC80  }
0x46: {  	s9 =	smov.u32 s31;
	s14 =	smov.u32 s3  }
0x47: {  	[tilespmem:s18], [sflag:$0x2] =	stream.indirect.gather [hbm4b:s1+s16], $0x80, s8, s16, $0xb8;
	[tilespmem:$0x1F400] =	vst v63  }
0x48: {  	p0 =	sne.s32 s31, $0x17700;
	s31 =	sadd.s32 $0x640, s31;
	_ =	swait.ge [sflag:s19], $0x6400  }
0x49: {  	[sflag:s19] =	ssyncset.done $0x0  }
0x4a: {  	[sflag:s19] =	ssyncadd.s32 $0xFFFF9C00  }
0x4b: {  	_ =	swait.ge [sflag:s29], $0xC80  }
0x4c: {  	[sflag:s29] =	ssyncset.done $0x0  }
0x4d: {  	[sflag:s29] =	ssyncadd.s32 $0xFFFFF380  }
0x4e: {  	[spmem:s5] =	stream.linear.scatter [tilespmem:s17], [sflag:$0x3], $0x6400, $0x38;
	[tilespmem:$0x1F400] =	vst v63  }
0x4f: {  	_ =	swait.ge [sflag:s21], $0x6400  }
0x50: {  	[sflag:s21] =	ssyncset.done $0x0  }
0x51: {  	s8 =	sadd.s32 $0xFFFFF380, s3;
	s9 =	sshra.s32 s9, $0x2;
	[sflag:s21] =	ssyncadd.s32 $0xFFFF9C00  }
0x52: {  	[hbm:s8], [sflag:s22] =	dma.local [spmem:s23], $0xC80  }
0x53: {  	s8 =	sadd.s32 $0x320, s9  }
0x54: {  	[tilespmem:s17], [sflag:$0x1] =	stream.indirect.gather [hbm4b:s1+s16], $0x80, s8, s16, $0xb8;
	[tilespmem:$0x1F400] =	vst v63  }
0x55: {  	_ =	swait.ge [sflag:s25], $0x6400  }
0x56: {  	[sflag:s25] =	ssyncset.done $0x0  }
0x57: {  	[sflag:s25] =	ssyncadd.s32 $0xFFFF9C00  }
0x58: {  	_ =	swait.ge [sflag:s30], $0xC80  }
0x59: {  	[sflag:s30] =	ssyncset.done $0x0  }
.Ltmp0:
0x5a: {  	[sflag:s30] =	ssyncadd.s32 $0xFFFFF380;
	(pc) =	sbr.rel @p0 .LBB2_2-.Ltmp0, $4  }
0x5b: {  	[spmem:s7] =	stream.linear.scatter [tilespmem:s18], [sflag:$0x4], $0x6400, $0x38;
	[tilespmem:$0x1F400] =	vst v63  }
0x5c: {  	_ =	swait.ge [sflag:s26], $0x6400  }
0x5d: {  	[sflag:s26] =	ssyncset.done $0x0  }
0x5e: {  	s3 =	sadd.s32 $0x1900, s3;
	s8 =	sadd.s32 $0x3E8, s9;
	[sflag:s26] =	ssyncadd.s32 $0xFFFF9C00  }
0x5f: {  	[hbm:s14], [sflag:s24] =	dma.local [spmem:s28], $0xC80  }
0x60: {  	[tilespmem:s18], [sflag:$0x2] =	stream.indirect.gather [hbm4b:s1+s16], $0x80, s8, s16, $0xb8;
	[tilespmem:$0x1F400] =	vst v63  }
0x61: {  	_ =	swait.ge [sflag:s19], $0x6400  }
0x62: {  	[sflag:s19] =	ssyncset.done $0x0  }
0x63: {  	[sflag:s19] =	ssyncadd.s32 $0xFFFF9C00  }
0x64: {  	_ =	swait.ge [sflag:s29], $0xC80  }
0x65: {  	[sflag:s29] =	ssyncset.done $0x0  }
0x66: {  	[sflag:s29] =	ssyncadd.s32 $0xFFFFF380  }
0x67: {  	[spmem:s5] =	stream.linear.scatter [tilespmem:s17], [sflag:$0x3], $0x6400, $0x38;
	[tilespmem:$0x1F400] =	vst v63  }
0x68: {  	_ =	swait.ge [sflag:s21], $0x6400  }
0x69: {  	[sflag:s21] =	ssyncset.done $0x0  }
0x6a: {  	s3 =	simm.s32 $0x6270;
	[sflag:s21] =	ssyncadd.s32 $0xFFFF9C00  }
0x6b: {  	[hbm:s12], [sflag:s22] =	dma.local [spmem:s23], $0xC80  }
0x6c: {  	[tilespmem:s17], [sflag:$0x1] =	stream.indirect.gather [hbm4b:s1+s16], $0x80, s3, s16, $0xb8;
	[tilespmem:$0x1F400] =	vst v63  }
0x6d: {  	_ =	swait.ge [sflag:s25], $0x6400  }
0x6e: {  	[sflag:s25] =	ssyncset.done $0x0  }
0x6f: {  	[sflag:s25] =	ssyncadd.s32 $0xFFFF9C00  }
0x70: {  	_ =	swait.ge [sflag:s30], $0xC80  }
0x71: {  	[sflag:s30] =	ssyncset.done $0x0  }
0x72: {  	[sflag:s30] =	ssyncadd.s32 $0xFFFFF380  }
0x73: {  	[spmem:s7] =	stream.linear.scatter [tilespmem:s18], [sflag:$0x4], $0x6400, $0x38;
	[tilespmem:$0x1F400] =	vst v63  }
0x74: {  	_ =	swait.ge [sflag:s26], $0x6400  }
0x75: {  	[sflag:s26] =	ssyncset.done $0x0  }
0x76: {  	[sflag:s26] =	ssyncadd.s32 $0xFFFF9C00  }
0x77: {  	[hbm:s13], [sflag:s24] =	dma.local [spmem:s28], $0xC80  }
0x78: {  	[tilespmem:s18], [sflag:$0x2] =	stream.indirect.gather [hbm4b:s1+s16], $0x80, s2, s16, $0xb8;
	[tilespmem:$0x1F400] =	vst v63  }
0x79: {  	_ =	swait.ge [sflag:s19], $0x6400  }
0x7a: {  	[sflag:s19] =	ssyncset.done $0x0  }
0x7b: {  	[sflag:s19] =	ssyncadd.s32 $0xFFFF9C00  }
0x7c: {  	_ =	swait.ge [sflag:s29], $0xC80  }
0x7d: {  	[sflag:s29] =	ssyncset.done $0x0  }
0x7e: {  	[sflag:s29] =	ssyncadd.s32 $0xFFFFF380  }
0x7f: {  	[spmem:s5] =	stream.linear.scatter [tilespmem:s17], [sflag:$0x3], $0x6400, $0x38;
	[tilespmem:$0x1F400] =	vst v63  }
0x80: {  	_ =	swait.ge [sflag:s21], $0x6400  }
0x81: {  	[sflag:s21] =	ssyncset.done $0x0  }
0x82: {  	[sflag:s21] =	ssyncadd.s32 $0xFFFF9C00  }
0x83: {  	[hbm:s10], [sflag:s22] =	dma.local [spmem:s23], $0xC80  }
0x84: {  	[tilespmem:s17], [sflag:$0x1] =	stream.indirect.gather [hbm4b:s1+s16], $0x80, s2, s16, $0xb8;
	[tilespmem:$0x1F400] =	vst v63  }
0x85: {  	_ =	swait.ge [sflag:s25], $0x6400  }
0x86: {  	[sflag:s25] =	ssyncset.done $0x0  }
0x87: {  	[sflag:s25] =	ssyncadd.s32 $0xFFFF9C00  }
0x88: {  	_ =	swait.ge [sflag:s30], $0xC80  }
0x89: {  	[sflag:s30] =	ssyncset.done $0x0  }
0x8a: {  	[sflag:s30] =	ssyncadd.s32 $0xFFFFF380  }
0x8b: {  	[spmem:s7] =	stream.linear.scatter [tilespmem:s18], [sflag:$0x4], $0x6400, $0x38;
	[tilespmem:$0x1F400] =	vst v63  }
0x8c: {  	_ =	swait.ge [sflag:s26], $0x6400  }
0x8d: {  	[sflag:s26] =	ssyncset.done $0x0  }
0x8e: {  	[sflag:s26] =	ssyncadd.s32 $0xFFFF9C00  }
0x8f: {  	[hbm:s11], [sflag:s24] =	dma.local [spmem:s28], $0xC80  }
0x90: {  	[tilespmem:s18], [sflag:$0x2] =	stream.indirect.gather [hbm4b:s1+s16], $0x80, s2, s16, $0xb8;
	[tilespmem:$0x1F400] =	vst v63  }
0x91: {  	_ =	swait.ge [sflag:s19], $0x6400  }
0x92: {  	[sflag:s19] =	ssyncset.done $0x0  }
0x93: {  	[sflag:s19] =	ssyncadd.s32 $0xFFFF9C00  }
0x94: {  	_ =	swait.ge [sflag:s29], $0xC80  }
0x95: {  	[sflag:s29] =	ssyncset.done $0x0  }
0x96: {  	[sflag:s29] =	ssyncadd.s32 $0xFFFFF380  }
0x97: {  	_ =	swait.ge [sflag:s25], $0x6400  }
0x98: {  	[sflag:s25] =	ssyncset.done $0x0  }
0x99: {  	[sflag:s25] =	ssyncadd.s32 $0xFFFF9C00  }
0x9a: {  	_ =	swait.ge [sflag:s30], $0xC80  }
0x9b: {  	s0 =	sadd.s32 $0x1, s0;
	s31 =	rddreg [dreg:$0x7]  }
0x9c: {  	p0 =	sne.s32 s0, s31  }
.Ltmp1:
0x9d: {  	_ = 	snop;
	(pc) =	sbr.rel @p0 .LBB2_1-.Ltmp1, $3  }
0x9e: {  	_ =	sdelay $0x1  }
0x9f: {  	[sflag:s30] =	ssyncset.done $0x0  }
0xa0: {  	[sflag:s30] =	ssyncadd.s32 $0xFFFFF380  }
0xa1: {  	_ =	sfence.sel $0x180000  }
0xa2: {  	[bflag:$0x0] =	sbarrier.arrive $0xFFFF  }
0xa3: {  	_ =	strace $0x90000047  }
0xa4: {  	s0 =	stileid.u32;
	[bflag:$0x2] =	sbarrier.arrive $0xFFFF  }
0xa5: {  	p0 =	sne.s32 s0, $0x0;
	s0 =	rddreg [dreg:$0x4]  }
0xa6: {  	s0 =	sadd.s32 @!p0 $0x100000, s0  }
0xa7: {  	[sflag:s0] =	ssyncadd.tile.s32 @!p0 $0x1;
	_ =	shalt  }
.Lfunc_end2:
_tile_overlayer_lowered:
.L_overlay_start_2:
0xa8: {  	(tag) =	ssettag $0x2  }
0xa9: {  	s0 =	rddreg [dreg:$0x0];
	s2 =	stileid.u32  }
0xaa: {  	s1 =	rddreg [dreg:$0x1];
	p0 =	sne.s32 s2, $0x0  }
0xab: {  	s3 =	rddreg [dreg:$0x2];
	[bflag:$0x3] =	sbarrier.arrive $0xFFFF;
	s2 =	simm.s32 @!p0 $0x1C07  }
0xac: {  	[timem:s3], [sflag:s2] =	dma.local @!p0 [hbm:s0], s1  }
0xad: {  	s0 =	simm.s32 @!p0 $0x7  }
0xae: {  	_ =	swait.ge @!p0 [sflag:s0], s1  }
0xaf: {  	s1 =	ssub.s32 @!p0 $0x0, s1;
	[sflag:s0] =	ssyncset.done @!p0 $0x0  }
0xb0: {  	[sflag:s0] =	ssyncadd.s32 @!p0 s1  }
0xb1: {  	[bflag:$0x3] =	sbarrier.arrive $0xFFFF  }
0xb2: {  	_ =	shalt  }

</sc_bundles>
